<compile_context>
chip_gen: v7x
topology: tpu7x:2x2x1
jax: 0.10.2.dev20260603
libtpu: 0.0.44.dev20260713+nightly
codegen_flags: <defaults>
</compile_context>

<pallas_src>
import functools

import jax
import jax.numpy as jnp
from jax import lax
from jax.experimental import pallas as pl
from jax.experimental.pallas import tpu as pltpu
from jax.experimental.pallas import tpu_sc as plsc

TM = 32


def _router_body(T, E, RPAD, NT, x_ref, gw_ref,
                 dest_ref, xs_ref, rwt_ref, te_ref, act_ref):
    x = x_ref[...].reshape(T, x_ref.shape[-1])
    gw = gw_ref[...]
    logits = lax.dot_general(x, gw, (((1,), (1,)), ((), ())),
                             preferred_element_type=jnp.float32)
    m = jnp.max(logits, axis=1, keepdims=True)
    p = 1.0 / jnp.sum(jnp.exp(logits - m), axis=1, keepdims=True)
    wt = p / (p + 1e-9)

    e_iota = lax.broadcasted_iota(jnp.int32, (T, E), 1)
    eid = jnp.min(jnp.where(logits >= m, e_iota, E), axis=1, keepdims=True)
    onehot = (e_iota == eid).astype(jnp.float32)

    counts = lax.dot_general(onehot, jnp.ones((T, 1), jnp.float32),
                             (((0,), (0,)), ((), ())),
                             preferred_element_type=jnp.float32)
    padded = (((counts.astype(jnp.int32) + (TM - 1)) // TM)
              * TM).astype(jnp.float32)

    r_e = lax.broadcasted_iota(jnp.int32, (E, E), 0)
    c_e = lax.broadcasted_iota(jnp.int32, (E, E), 1)
    tri_e = (c_e < r_e).astype(jnp.float32)
    p_ex = lax.dot_general(tri_e, padded, (((1,), (0,)), ((), ())),
                           precision=lax.Precision.HIGHEST,
                           preferred_element_type=jnp.float32)
    p_end = p_ex + padded
    total = jnp.sum(padded)

    r_t = lax.broadcasted_iota(jnp.int32, (T, T), 0)
    c_t = lax.broadcasted_iota(jnp.int32, (T, T), 1)
    tri_t = (c_t < r_t).astype(jnp.float32)
    posm = lax.dot_general(tri_t, onehot, (((1,), (0,)), ((), ())),
                           preferred_element_type=jnp.float32)
    pos = jnp.sum(posm * onehot, axis=1, keepdims=True)
    base = lax.dot_general(onehot, p_ex, (((1,), (0,)), ((), ())),
                           preferred_element_type=jnp.float32)
    dest = (base + pos).astype(jnp.int32)
    ident = (r_t == c_t).astype(jnp.float32)
    d_hi = dest // TM
    d_cols = jnp.concatenate(
        [d_hi.astype(jnp.float32),
         (dest - d_hi * TM).astype(jnp.float32)], axis=1)
    d_rows = lax.dot_general(d_cols, ident, (((0,), (0,)), ((), ())),
                             preferred_element_type=jnp.float32)
    dest_ref[...] = (float(TM) * d_rows[0:1, :]
                     + d_rows[1:2, :]).astype(jnp.int32)

    r_cols = lax.broadcasted_iota(jnp.int32, (T, RPAD), 1)
    mt = (r_cols == dest).astype(jnp.float32)
    xs_ref[...] = lax.dot_general(mt, x, (((0,), (0,)), ((), ())),
                                  preferred_element_type=jnp.float32
                                  ).astype(jnp.bfloat16)
    wt_a = wt.astype(jnp.bfloat16).astype(jnp.float32)
    wt_cols = jnp.concatenate([wt_a, wt - wt_a], axis=1)
    rwt2 = lax.dot_general(mt, wt_cols, (((0,), (0,)), ((), ())),
                           preferred_element_type=jnp.float32)
    rwt_ref[...] = jnp.sum(rwt2, axis=1, keepdims=True)

    i_tile = lax.broadcasted_iota(jnp.int32, (1, NT), 1).astype(jnp.float32) * TM
    r_eff = jnp.minimum(i_tile, total - TM)
    te_ref[...] = jnp.sum((p_end <= r_eff).astype(jnp.float32),
                          axis=0, keepdims=True).astype(jnp.int32)
    act_ref[...] = (i_tile < total).astype(jnp.int32)


def _ffn_body(te_ref, act_ref, xs_ref, w1_ref, b1_ref, w2_ref, b2_ref,
              wt_ref, o_ref):
    i = pl.program_id(0)

    @pl.when(act_ref[i] == 1)
    def _():
        e = te_ref[i]
        x = xs_ref[...].astype(jnp.float32)
        h = (lax.dot_general(x, w1_ref[0], (((1,), (0,)), ((), ())),
                             preferred_element_type=jnp.float32)
             + b1_ref[pl.ds(e, 1), :])
        h = jnp.maximum(h, 0.0)
        o = (lax.dot_general(h, w2_ref[0], (((1,), (0,)), ((), ())),
                             preferred_element_type=jnp.float32)
             + b2_ref[pl.ds(e, 1), :])
        o_ref[...] = o * wt_ref[...]


def _sc_gather(table, idx, out_rows):
    rows, d = out_rows, table.shape[1]
    info = plsc.get_sparse_core_info()
    nw = info.num_cores * info.num_subcores
    b_per_w = rows // nw
    mesh = plsc.VectorSubcoreMesh(core_axis_name="c", subcore_axis_name="s")

    @functools.partial(
        pl.kernel, mesh=mesh,
        out_type=jax.ShapeDtypeStruct((rows, d), jnp.float32),
        scratch_types=[
            pltpu.VMEM((b_per_w,), jnp.int32),
            pltpu.VMEM((b_per_w, d), jnp.float32),
            pltpu.SemaphoreType.DMA,
        ],
    )
    def gather_k(table_hbm, idx_hbm, out_hbm, idx_v, rows_v, sem):
        wid = lax.axis_index("s") * info.num_cores + lax.axis_index("c")
        base = wid * b_per_w
        pltpu.sync_copy(idx_hbm.at[pl.ds(base, b_per_w)], idx_v)
        pltpu.async_copy(table_hbm.at[idx_v], rows_v, sem).wait()
        pltpu.sync_copy(rows_v, out_hbm.at[pl.ds(base, b_per_w)])

    return gather_k(table, idx)


def kernel(x, gate_w, w1, b1, w2, b2):
    orig_shape = x.shape
    D = x.shape[-1]
    T = x.size // D
    E, H = w1.shape[0], w1.shape[2]
    RPAD = -(-(T + E * (TM - 1)) // 256) * 256
    NT = RPAD // TM

    dest, xs, rwt, te, act = pl.pallas_call(
        functools.partial(_router_body, T, E, RPAD, NT),
        out_shape=[
            jax.ShapeDtypeStruct((1, T), jnp.int32),
            jax.ShapeDtypeStruct((RPAD, D), jnp.bfloat16),
            jax.ShapeDtypeStruct((RPAD, 1), jnp.float32),
            jax.ShapeDtypeStruct((1, NT), jnp.int32),
            jax.ShapeDtypeStruct((1, NT), jnp.int32),
        ],
    )(x, gate_w)

    grid_spec = pltpu.PrefetchScalarGridSpec(
        num_scalar_prefetch=2,
        grid=(NT,),
        in_specs=[
            pl.BlockSpec((TM, D), lambda i, te, act: (i, 0)),
            pl.BlockSpec((1, D, H), lambda i, te, act: (te[i], 0, 0)),
            pl.BlockSpec((E, H), lambda i, te, act: (0, 0)),
            pl.BlockSpec((1, H, D), lambda i, te, act: (te[i], 0, 0)),
            pl.BlockSpec((E, D), lambda i, te, act: (0, 0)),
            pl.BlockSpec((TM, 1), lambda i, te, act: (i, 0)),
        ],
        out_specs=pl.BlockSpec((TM, D), lambda i, te, act: (i, 0)),
    )
    osort = pl.pallas_call(
        _ffn_body,
        grid_spec=grid_spec,
        out_shape=jax.ShapeDtypeStruct((RPAD, D), jnp.float32),
    )(te.reshape(NT), act.reshape(NT), xs, w1, b1, w2, b2, rwt)

    out = _sc_gather(osort, dest.reshape(T), T)
    return out.reshape(orig_shape)

# --- scband reference (transcript-rebuilt; emitter-appended) ---
"""Pipeline reference for scband-moe-feed-forward-48215302865691 (READ-ONLY COPY).

The authoritative reference and input builder live on the scoring server;
editing this copy changes nothing except your own understanding.
"""

import jax, jax.numpy as jnp
import numpy as np

EMBED_DIM = 768
HIDDEN_DIM = 768
NUM_EXPERTS = 64
TOP_K = 1


def setup_inputs(seed: int = 0) -> dict:
    key = jax.random.key(seed)
    ks = jax.random.split(key, 4)
    x = jax.random.normal(ks[0], (64, 8, EMBED_DIM), dtype=jnp.float32)
    gate_w = jax.random.normal(ks[1], (NUM_EXPERTS, EMBED_DIM), dtype=jnp.float32) * (1.0 / np.sqrt(EMBED_DIM))
    w1 = jax.random.normal(ks[2], (NUM_EXPERTS, EMBED_DIM, HIDDEN_DIM), dtype=jnp.float32) * np.sqrt(2.0 / EMBED_DIM)
    b1 = jnp.zeros((NUM_EXPERTS, HIDDEN_DIM), dtype=jnp.float32)
    w2 = jax.random.normal(ks[3], (NUM_EXPERTS, HIDDEN_DIM, EMBED_DIM), dtype=jnp.float32) * np.sqrt(2.0 / HIDDEN_DIM)
    b2 = jnp.zeros((NUM_EXPERTS, EMBED_DIM), dtype=jnp.float32)
    return {"x": x, "gate_w": gate_w, "w1": w1, "b1": b1, "w2": w2, "b2": b2}


def reference(x, gate_w, w1, b1, w2, b2):
    orig_shape = x.shape
    xf = x.reshape(-1, EMBED_DIM)
    # --- router (MoeRouter.forward) ---
    logits = xf @ gate_w.T
    probs = jax.nn.softmax(logits, axis=-1)
    mean_probs = probs.mean(axis=0)
    aux_loss = (mean_probs * jnp.log(mean_probs + 1e-9)).sum()  # stored as buffer in torch; computed for fidelity
    top_k_weights, top_k_indices = jax.lax.top_k(probs, TOP_K)
    top_k_weights = top_k_weights / (top_k_weights.sum(axis=-1, keepdims=True) + 1e-9)
    # --- expert computation (MoeFeedForward.forward) ---
    n = xf.shape[0]
    indices = top_k_indices.reshape(-1)
    weights = top_k_weights.reshape(-1, 1)
    selected_w1 = jnp.take(w1, indices, axis=0)
    selected_b1 = jnp.take(b1, indices, axis=0)
    selected_w2 = jnp.take(w2, indices, axis=0)
    selected_b2 = jnp.take(b2, indices, axis=0)
    x_expanded = jnp.repeat(xf[:, None, :], TOP_K, axis=1).reshape(-1, EMBED_DIM)
    h = jnp.einsum('be,beh->bh', x_expanded, selected_w1) + selected_b1
    h = jax.nn.relu(h)
    # dropout p=0.0 -> identity
    out = jnp.einsum('bh,bhe->be', h, selected_w2) + selected_b2
    out = out.reshape(n, TOP_K, -1)
    out = (out * weights.reshape(n, TOP_K, 1)).sum(axis=1)
    return out.reshape(orig_shape)

if __name__ == "__main__":
    import jax
    _d = setup_inputs()
    print(jax.jit(kernel)(*tuple(_d.values())))

</pallas_src>

<mosaic_0001>
#map = affine_map<(d0, d1) -> (0, 0)>
#map1 = affine_map<(d0, d1) -> (0)>
module attributes {stable_mosaic.version = 14 : i64} {
  func.func @gather_k(%arg0: i32, %arg1: i32, %arg2: memref<2560x768xf32, #tpu.memory_space<hbm>>, %arg3: memref<512xi32, #tpu.memory_space<hbm>>, %arg4: memref<512x768xf32, #tpu.memory_space<hbm>>, %arg5: memref<16xi32, #tpu.memory_space<vmem>>, %arg6: memref<16x768xf32, #tpu.memory_space<vmem>>, %arg7: memref<!tpu.dma_semaphore, #tpu.memory_space<semaphore_mem>>) attributes {dimension_semantics = [#tpu.dimension_semantics<core_parallel>, #tpu.dimension_semantics<subcore_parallel>], iteration_bounds = array<i64: 2, 16>, scalar_prefetch = 0 : i64, scratch_operands = 3 : i64, tpu.core_type = #tpu.core_type<sc_vector_subcore>, window_params = [{transform_indices = #map}, {transform_indices = #map1}, {transform_indices = #map}]} {
    %mul3A = arith.constant 2 : i32
    %mul3A_0 = arith.muli %arg1, %mul3A : i32
    %add3A = arith.addi %mul3A_0, %arg0 : i32
    %mul3A_1 = arith.constant 16 : i32
    %mul3A_2 = arith.muli %add3A, %mul3A_1 : i32
    "tpu.region"() ({
      %run_scoped3A = tpu.sem_alloc : memref<!tpu.dma_semaphore, #tpu.memory_space<semaphore_mem>>
      %dma_start3A_7 = tpu.memref_slice %arg3[%mul3A_2] : memref<512xi32, #tpu.memory_space<hbm>> -> memref<16xi32, #tpu.memory_space<hbm>>
      %dma_start3A_8 = tpu.memref_slice %arg3[%mul3A_2] : memref<512xi32, #tpu.memory_space<hbm>> -> memref<16xi32, #tpu.memory_space<hbm>>
      tpu.enqueue_dma source(%dma_start3A_8 : memref<16xi32, #tpu.memory_space<hbm>>) target(%arg5 : memref<16xi32, #tpu.memory_space<vmem>>) target_semaphore(%run_scoped3A : memref<!tpu.dma_semaphore, #tpu.memory_space<semaphore_mem>>)
      %dma_wait3A_9 = tpu.memref_slice %arg3[%mul3A_2] : memref<512xi32, #tpu.memory_space<hbm>> -> memref<16xi32, #tpu.memory_space<hbm>>
      %dma_wait3A_10 = tpu.memref_slice %arg3[%mul3A_2] : memref<512xi32, #tpu.memory_space<hbm>> -> memref<16xi32, #tpu.memory_space<hbm>>
      tpu.wait_dma2 semaphore(%run_scoped3A : memref<!tpu.dma_semaphore, #tpu.memory_space<semaphore_mem>>) src(%dma_wait3A_10 : memref<16xi32, #tpu.memory_space<hbm>>) dst(%arg5 : memref<16xi32, #tpu.memory_space<vmem>>)
      tpu.yield
    }) : () -> ()
    %dma_start3A = arith.constant 0 : i32
    %dma_start3A_3 = arith.constant 0 : i32
    %dma_start3A_4 = tpu.memref_slice %arg2[%dma_start3A, %dma_start3A_3] : memref<2560x768xf32, #tpu.memory_space<hbm>> -> memref<2560x768xf32, #tpu.memory_space<hbm>>
    tpu.enqueue_indirect_dma source(%dma_start3A_4 : memref<2560x768xf32, #tpu.memory_space<hbm>>) target(%arg6 : memref<16x768xf32, #tpu.memory_space<vmem>>) offsets(%arg5 : memref<16xi32, #tpu.memory_space<vmem>>) semaphore(%arg7 : memref<!tpu.dma_semaphore, #tpu.memory_space<semaphore_mem>>)
    %dma_wait3A = arith.constant 0 : i32
    %dma_wait3A_5 = arith.constant 0 : i32
    %dma_wait3A_6 = tpu.memref_slice %arg2[%dma_wait3A, %dma_wait3A_5] : memref<2560x768xf32, #tpu.memory_space<hbm>> -> memref<2560x768xf32, #tpu.memory_space<hbm>>
    tpu.wait_indirect_dma semaphore(%arg7 : memref<!tpu.dma_semaphore, #tpu.memory_space<semaphore_mem>>) src(%dma_wait3A_6 : memref<2560x768xf32, #tpu.memory_space<hbm>>) dst(%arg6 : memref<16x768xf32, #tpu.memory_space<vmem>>)
    "tpu.region"() ({
      %run_scoped3A = tpu.sem_alloc : memref<!tpu.dma_semaphore, #tpu.memory_space<semaphore_mem>>
      %dma_start3A_7 = arith.constant 0 : i32
      %dma_start3A_8 = tpu.memref_slice %arg4[%mul3A_2, %dma_start3A_7] : memref<512x768xf32, #tpu.memory_space<hbm>> -> memref<16x768xf32, #tpu.memory_space<hbm>>
      %dma_start3A_9 = arith.constant 0 : i32
      %dma_start3A_10 = tpu.memref_slice %arg4[%mul3A_2, %dma_start3A_9] : memref<512x768xf32, #tpu.memory_space<hbm>> -> memref<16x768xf32, #tpu.memory_space<hbm>>
      tpu.enqueue_dma source(%arg6 : memref<16x768xf32, #tpu.memory_space<vmem>>) target(%dma_start3A_10 : memref<16x768xf32, #tpu.memory_space<hbm>>) target_semaphore(%run_scoped3A : memref<!tpu.dma_semaphore, #tpu.memory_space<semaphore_mem>>)
      %dma_wait3A_11 = arith.constant 0 : i32
      %dma_wait3A_12 = tpu.memref_slice %arg4[%mul3A_2, %dma_wait3A_11] : memref<512x768xf32, #tpu.memory_space<hbm>> -> memref<16x768xf32, #tpu.memory_space<hbm>>
      %dma_wait3A_13 = arith.constant 0 : i32
      %dma_wait3A_14 = tpu.memref_slice %arg4[%mul3A_2, %dma_wait3A_13] : memref<512x768xf32, #tpu.memory_space<hbm>> -> memref<16x768xf32, #tpu.memory_space<hbm>>
      tpu.wait_dma2 semaphore(%run_scoped3A : memref<!tpu.dma_semaphore, #tpu.memory_space<semaphore_mem>>) src(%arg6 : memref<16x768xf32, #tpu.memory_space<vmem>>) dst(%dma_wait3A_14 : memref<16x768xf32, #tpu.memory_space<hbm>>)
      tpu.yield
    }) : () -> ()
    return
  }
}

module attributes {stable_mosaic.version = 14 : i64} {
  func.func @_ffn_body(%arg0: i32, %arg1: memref<80xi32, #tpu.memory_space<smem>>, %arg2: memref<80xi32, #tpu.memory_space<smem>>, %arg3: memref<32x768xbf16, #tpu.memory_space<vmem>>, %arg4: memref<1x768x768xf32, #tpu.memory_space<vmem>>, %arg5: memref<64x768xf32, #tpu.memory_space<vmem>>, %arg6: memref<1x768x768xf32, #tpu.memory_space<vmem>>, %arg7: memref<64x768xf32, #tpu.memory_space<vmem>>, %arg8: memref<32x1xf32, #tpu.memory_space<vmem>>, %arg9: memref<32x768xf32, #tpu.memory_space<vmem>>) attributes {dimension_semantics = [#tpu.dimension_semantics<arbitrary>], iteration_bounds = array<i64: 80>, scalar_prefetch = 2 : i64, scratch_operands = 0 : i64, tpu.core_type = #tpu.core_type<tc>, window_params = [{transform_indices = @transform_0, window_bounds = array<i64: 32, 768>}, {transform_indices = @transform_1, window_bounds = array<i64: 1, 768, 768>}, {pipeline_mode = #tpu.pipeline_mode<synchronous>, transform_indices = @transform_2, window_bounds = array<i64: 64, 768>}, {transform_indices = @transform_3, window_bounds = array<i64: 1, 768, 768>}, {pipeline_mode = #tpu.pipeline_mode<synchronous>, transform_indices = @transform_4, window_bounds = array<i64: 64, 768>}, {transform_indices = @transform_5, window_bounds = array<i64: 32, 1>}, {transform_indices = @transform_6, window_bounds = array<i64: 32, 768>}]} {
    %get3A = arith.index_cast %arg0 : i32 to index
    %get3A_0 = memref.load %arg2[%get3A] : memref<80xi32, #tpu.memory_space<smem>>
    %eq3A = arith.constant 1 : i32
    %eq3A_1 = arith.cmpi eq, %get3A_0, %eq3A : i32
    %convert_element_type3A = arith.extui %eq3A_1 : i1 to i32
    %cond3A = arith.constant 0 : i32
    %cond3A_2 = arith.cmpi ne, %convert_element_type3A, %cond3A : i32
    scf.if %cond3A_2 {
      %get3A_3 = arith.index_cast %arg0 : i32 to index
      %get3A_4 = memref.load %arg1[%get3A_3] : memref<80xi32, #tpu.memory_space<smem>>
      %get3A_5 = arith.constant 0 : index
      %get3A_6 = arith.constant 0 : index
      %get3A_7 = vector.load %arg3[%get3A_5, %get3A_6] : memref<32x768xbf16, #tpu.memory_space<vmem>>, vector<32x768xbf16>
      %convert_element_type3A_8 = arith.extf %get3A_7 : vector<32x768xbf16> to vector<32x768xf32>
      %get3A_9 = arith.constant 0 : index
      %get3A_10 = arith.constant 0 : index
      %get3A_11 = arith.constant 0 : index
      %get3A_12 = vector.load %arg4[%get3A_9, %get3A_10, %get3A_11] : memref<1x768x768xf32, #tpu.memory_space<vmem>>, vector<1x768x768xf32>
      %get3A_13 = vector.shape_cast %get3A_12 : vector<1x768x768xf32> to vector<768x768xf32>
      %dot_general3A = arith.constant dense<0.000000e+00> : vector<32x768xf32>
      %dot_general3A_14 = tpu.matmul %convert_element_type3A_8, %get3A_13, %dot_general3A {dimension_numbers = #tpu.dot_dimension_numbers<[1], [0], [0], [1], [0, 0, 1, 1], [], []>, transpose_lhs_hint = false} : vector<32x768xf32>, vector<768x768xf32>, vector<32x768xf32> -> vector<32x768xf32>
      %get3A_15 = arith.index_cast %get3A_4 : i32 to index
      %get3A_16 = arith.constant 0 : index
      %get3A_17 = vector.load %arg5[%get3A_15, %get3A_16] : memref<64x768xf32, #tpu.memory_space<vmem>>, vector<1x768xf32>
      %add3A = vector.broadcast %get3A_17 : vector<1x768xf32> to vector<32x768xf32>
      %add3A_18 = arith.addf %dot_general3A_14, %add3A : vector<32x768xf32>
      %max3A = arith.constant 0.000000e+00 : f32
      %max3A_19 = vector.broadcast %max3A : f32 to vector<32x768xf32>
      %max3A_20 = arith.maximumf %add3A_18, %max3A_19 : vector<32x768xf32>
      %get3A_21 = arith.constant 0 : index
      %get3A_22 = arith.constant 0 : index
      %get3A_23 = arith.constant 0 : index
      %get3A_24 = vector.load %arg6[%get3A_21, %get3A_22, %get3A_23] : memref<1x768x768xf32, #tpu.memory_space<vmem>>, vector<1x768x768xf32>
      %get3A_25 = vector.shape_cast %get3A_24 : vector<1x768x768xf32> to vector<768x768xf32>
      %dot_general3A_26 = arith.constant dense<0.000000e+00> : vector<32x768xf32>
      %dot_general3A_27 = tpu.matmul %max3A_20, %get3A_25, %dot_general3A_26 {dimension_numbers = #tpu.dot_dimension_numbers<[1], [0], [0], [1], [0, 0, 1, 1], [], []>, transpose_lhs_hint = false} : vector<32x768xf32>, vector<768x768xf32>, vector<32x768xf32> -> vector<32x768xf32>
      %get3A_28 = arith.index_cast %get3A_4 : i32 to index
      %get3A_29 = arith.constant 0 : index
      %get3A_30 = vector.load %arg7[%get3A_28, %get3A_29] : memref<64x768xf32, #tpu.memory_space<vmem>>, vector<1x768xf32>
      %add3A_31 = vector.broadcast %get3A_30 : vector<1x768xf32> to vector<32x768xf32>
      %add3A_32 = arith.addf %dot_general3A_27, %add3A_31 : vector<32x768xf32>
      %get3A_33 = arith.constant 0 : index
      %get3A_34 = arith.constant 0 : index
      %get3A_35 = vector.load %arg8[%get3A_33, %get3A_34] : memref<32x1xf32, #tpu.memory_space<vmem>>, vector<32x1xf32>
      %mul3A = vector.broadcast %get3A_35 : vector<32x1xf32> to vector<32x768xf32>
      %mul3A_36 = arith.mulf %add3A_32, %mul3A : vector<32x768xf32>
      %swap3A = arith.constant 0 : index
      %swap3A_37 = arith.constant 0 : index
      %swap3A_38 = vector.load %arg9[%swap3A, %swap3A_37] : memref<32x768xf32, #tpu.memory_space<vmem>>, vector<32x768xf32>
      tpu.vector_store %arg9[%swap3A, %swap3A_37], %mul3A_36 {strides = array<i32>} : memref<32x768xf32, #tpu.memory_space<vmem>>, vector<32x768xf32>,
    } else {
    }
    return
  }
  func.func @transform_0(%arg0: i32, %arg1: memref<80xi32, #tpu.memory_space<smem>>, %arg2: memref<80xi32, #tpu.memory_space<smem>>) -> (i32, i32) {
    %c0_i32 = arith.constant 0 : i32
    %c0_i32_0 = arith.constant 0 : i32
    return %arg0, %c0_i32 : i32, i32
  }
  func.func @transform_1(%arg0: i32, %arg1: memref<80xi32, #tpu.memory_space<smem>>, %arg2: memref<80xi32, #tpu.memory_space<smem>>) -> (i32, i32, i32) {
    %get3A = arith.index_cast %arg0 : i32 to index
    %get3A_0 = memref.load %arg1[%get3A] : memref<80xi32, #tpu.memory_space<smem>>
    %c0_i32 = arith.constant 0 : i32
    %c0_i32_1 = arith.constant 0 : i32
    %c0_i32_2 = arith.constant 0 : i32
    return %get3A_0, %c0_i32, %c0_i32_1 : i32, i32, i32
  }
  func.func @transform_2(%arg0: i32, %arg1: memref<80xi32, #tpu.memory_space<smem>>, %arg2: memref<80xi32, #tpu.memory_space<smem>>) -> (i32, i32) {
    %c0_i32 = arith.constant 0 : i32
    %c0_i32_0 = arith.constant 0 : i32
    %c0_i32_1 = arith.constant 0 : i32
    return %c0_i32, %c0_i32_0 : i32, i32
  }
  func.func @transform_3(%arg0: i32, %arg1: memref<80xi32, #tpu.memory_space<smem>>, %arg2: memref<80xi32, #tpu.memory_space<smem>>) -> (i32, i32, i32) {
    %get3A = arith.index_cast %arg0 : i32 to index
    %get3A_0 = memref.load %arg1[%get3A] : memref<80xi32, #tpu.memory_space<smem>>
    %c0_i32 = arith.constant 0 : i32
    %c0_i32_1 = arith.constant 0 : i32
    %c0_i32_2 = arith.constant 0 : i32
    return %get3A_0, %c0_i32, %c0_i32_1 : i32, i32, i32
  }
  func.func @transform_4(%arg0: i32, %arg1: memref<80xi32, #tpu.memory_space<smem>>, %arg2: memref<80xi32, #tpu.memory_space<smem>>) -> (i32, i32) {
    %c0_i32 = arith.constant 0 : i32
    %c0_i32_0 = arith.constant 0 : i32
    %c0_i32_1 = arith.constant 0 : i32
    return %c0_i32, %c0_i32_0 : i32, i32
  }
  func.func @transform_5(%arg0: i32, %arg1: memref<80xi32, #tpu.memory_space<smem>>, %arg2: memref<80xi32, #tpu.memory_space<smem>>) -> (i32, i32) {
    %c0_i32 = arith.constant 0 : i32
    %c0_i32_0 = arith.constant 0 : i32
    return %arg0, %c0_i32 : i32, i32
  }
  func.func @transform_6(%arg0: i32, %arg1: memref<80xi32, #tpu.memory_space<smem>>, %arg2: memref<80xi32, #tpu.memory_space<smem>>) -> (i32, i32) {
    %c0_i32 = arith.constant 0 : i32
    %c0_i32_0 = arith.constant 0 : i32
    return %arg0, %c0_i32 : i32, i32
  }
}

module attributes {stable_mosaic.version = 14 : i64} {
  func.func @_router_body(%arg0: memref<64x8x768xf32, #tpu.memory_space<vmem>>, %arg1: memref<64x768xf32, #tpu.memory_space<vmem>>, %arg2: memref<1x512xi32, #tpu.memory_space<vmem>>, %arg3: memref<2560x768xbf16, #tpu.memory_space<vmem>>, %arg4: memref<2560x1xf32, #tpu.memory_space<vmem>>, %arg5: memref<1x80xi32, #tpu.memory_space<vmem>>, %arg6: memref<1x80xi32, #tpu.memory_space<vmem>>) attributes {dimension_semantics = [], scalar_prefetch = 0 : i64, scratch_operands = 0 : i64, tpu.core_type = #tpu.core_type<tc>} {
    %get3A = arith.constant 0 : index
    %get3A_0 = arith.constant 0 : index
    %get3A_1 = arith.constant 0 : index
    %get3A_2 = vector.load %arg0[%get3A, %get3A_0, %get3A_1] : memref<64x8x768xf32, #tpu.memory_space<vmem>>, vector<64x8x768xf32>
    %reshape3A = vector.shape_cast %get3A_2 : vector<64x8x768xf32> to vector<512x768xf32>
    %get3A_3 = arith.constant 0 : index
    %get3A_4 = arith.constant 0 : index
    %get3A_5 = vector.load %arg1[%get3A_3, %get3A_4] : memref<64x768xf32, #tpu.memory_space<vmem>>, vector<64x768xf32>
    %dot_general3A = arith.constant dense<0.000000e+00> : vector<512x64xf32>
    %dot_general3A_6 = tpu.matmul %reshape3A, %get3A_5, %dot_general3A {dimension_numbers = #tpu.dot_dimension_numbers<[1], [1], [0], [0], [0, 0, 1, 0], [], []>, transpose_lhs_hint = false} : vector<512x768xf32>, vector<64x768xf32>, vector<512x64xf32> -> vector<512x64xf32>
    %reduce_max3A = arith.constant dense<0xFF800000> : vector<512xf32>
    %reduce_max3A_7 = vector.multi_reduction <maximumf>, %dot_general3A_6, %reduce_max3A [1] : vector<512x64xf32> to vector<512xf32>
    %broadcast_in_dim3A = vector.shape_cast %reduce_max3A_7 : vector<512xf32> to vector<512x1xf32>
    %sub3A = vector.broadcast %broadcast_in_dim3A : vector<512x1xf32> to vector<512x64xf32>
    %sub3A_8 = arith.subf %dot_general3A_6, %sub3A : vector<512x64xf32>
    %exp3A = math.exp %sub3A_8 : vector<512x64xf32>
    %reduce_sum3A = arith.constant dense<0.000000e+00> : vector<512xf32>
    %reduce_sum3A_9 = vector.multi_reduction <add>, %exp3A, %reduce_sum3A [1] : vector<512x64xf32> to vector<512xf32>
    %broadcast_in_dim3A_10 = vector.shape_cast %reduce_sum3A_9 : vector<512xf32> to vector<512x1xf32>
    %div3A = arith.constant 1.000000e+00 : f32
    %div3A_11 = vector.broadcast %div3A : f32 to vector<512x1xf32>
    %div3A_12 = arith.divf %div3A_11, %broadcast_in_dim3A_10 : vector<512x1xf32>
    %add3A = arith.constant 9.99999971E-10 : f32
    %add3A_13 = vector.broadcast %add3A : f32 to vector<512x1xf32>
    %add3A_14 = arith.addf %div3A_12, %add3A_13 : vector<512x1xf32>
    %div3A_15 = arith.divf %div3A_12, %add3A_14 : vector<512x1xf32>
    %iota3A = tpu.iota {dimensions = array<i32: 1>} : vector<512x64xi32>
    %ge3A = vector.broadcast %broadcast_in_dim3A : vector<512x1xf32> to vector<512x64xf32>
    %ge3A_16 = arith.cmpf oge, %dot_general3A_6, %ge3A : vector<512x64xf32>
    %jit3A = arith.constant 64 : i32
    %broadcast_in_dim3A_17 = vector.broadcast %jit3A : i32 to vector<512x64xi32>
    %select_n3A = arith.select %ge3A_16, %iota3A, %broadcast_in_dim3A_17 : vector<512x64xi1>, vector<512x64xi32>
    %reduce_min3A = arith.constant dense<2147483647> : vector<512xi32>
    %reduce_min3A_18 = vector.multi_reduction <minsi>, %select_n3A, %reduce_min3A [1] : vector<512x64xi32> to vector<512xi32>
    %broadcast_in_dim3A_19 = vector.shape_cast %reduce_min3A_18 : vector<512xi32> to vector<512x1xi32>
    %eq3A = vector.broadcast %broadcast_in_dim3A_19 : vector<512x1xi32> to vector<512x64xi32>
    %eq3A_20 = arith.cmpi eq, %iota3A, %eq3A : vector<512x64xi32>
    %convert_element_type3A = arith.extui %eq3A_20 : vector<512x64xi1> to vector<512x64xi32>
    %convert_element_type3A_21 = arith.sitofp %convert_element_type3A : vector<512x64xi32> to vector<512x64xf32>
    %broadcast_in_dim3A_22 = arith.constant 1.000000e+00 : f32
    %broadcast_in_dim3A_23 = vector.broadcast %broadcast_in_dim3A_22 : f32 to vector<512x1xf32>
    %dot_general3A_24 = arith.constant dense<0.000000e+00> : vector<64x1xf32>
    %dot_general3A_25 = tpu.matmul %convert_element_type3A_21, %broadcast_in_dim3A_23, %dot_general3A_24 {dimension_numbers = #tpu.dot_dimension_numbers<[0], [0], [1], [1], [0, 1, 1, 1], [], []>, transpose_lhs_hint = false} : vector<512x64xf32>, vector<512x1xf32>, vector<64x1xf32> -> vector<64x1xf32>
    %convert_element_type3A_26 = arith.fptosi %dot_general3A_25 : vector<64x1xf32> to vector<64x1xi32>
    %add3A_27 = arith.constant 31 : i32
    %add3A_28 = vector.broadcast %add3A_27 : i32 to vector<64x1xi32>
    %add3A_29 = arith.addi %convert_element_type3A_26, %add3A_28 : vector<64x1xi32>
    %jit3A_30 = arith.constant 32 : i32
    %div3A_31 = vector.broadcast %jit3A_30 : i32 to vector<64x1xi32>
    %div3A_32 = arith.divsi %add3A_29, %div3A_31 : vector<64x1xi32>
    %sign3A = arith.constant 0 : i32
    %sign3A_33 = vector.broadcast %sign3A : i32 to vector<64x1xi32>
    %sign3A_34 = arith.cmpi sgt, %add3A_29, %sign3A_33 : vector<64x1xi32>
    %sign3A_35 = arith.extui %sign3A_34 : vector<64x1xi1> to vector<64x1xi32>
    %sign3A_36 = arith.constant 0 : i32
    %sign3A_37 = vector.broadcast %sign3A_36 : i32 to vector<64x1xi32>
    %sign3A_38 = arith.cmpi slt, %add3A_29, %sign3A_37 : vector<64x1xi32>
    %sign3A_39 = arith.extui %sign3A_38 : vector<64x1xi1> to vector<64x1xi32>
    %sign3A_40 = arith.subi %sign3A_35, %sign3A_39 : vector<64x1xi32>
    %sign3A_41 = arith.constant 0 : i32
    %sign3A_42 = arith.cmpi sgt, %jit3A_30, %sign3A_41 : i32
    %sign3A_43 = arith.extui %sign3A_42 : i1 to i32
    %sign3A_44 = arith.constant 0 : i32
    %sign3A_45 = arith.cmpi slt, %jit3A_30, %sign3A_44 : i32
    %sign3A_46 = arith.extui %sign3A_45 : i1 to i32
    %sign3A_47 = arith.subi %sign3A_43, %sign3A_46 : i32
    %ne3A = vector.broadcast %sign3A_47 : i32 to vector<64x1xi32>
    %ne3A_48 = arith.cmpi ne, %sign3A_40, %ne3A : vector<64x1xi32>
    %rem3A = vector.broadcast %jit3A_30 : i32 to vector<64x1xi32>
    %rem3A_49 = arith.remsi %add3A_29, %rem3A : vector<64x1xi32>
    %ne3A_50 = arith.constant 0 : i32
    %ne3A_51 = vector.broadcast %ne3A_50 : i32 to vector<64x1xi32>
    %ne3A_52 = arith.cmpi ne, %rem3A_49, %ne3A_51 : vector<64x1xi32>
    %and3A = arith.andi %ne3A_48, %ne3A_52 : vector<64x1xi1>
    %sub3A_53 = arith.constant 1 : i32
    %sub3A_54 = vector.broadcast %sub3A_53 : i32 to vector<64x1xi32>
    %sub3A_55 = arith.subi %div3A_32, %sub3A_54 : vector<64x1xi32>
    %select_n3A_56 = arith.select %and3A, %sub3A_55, %div3A_32 : vector<64x1xi1>, vector<64x1xi32>
    %mul3A = arith.constant 32 : i32
    %mul3A_57 = vector.broadcast %mul3A : i32 to vector<64x1xi32>
    %mul3A_58 = arith.muli %select_n3A_56, %mul3A_57 : vector<64x1xi32>
    %convert_element_type3A_59 = arith.sitofp %mul3A_58 : vector<64x1xi32> to vector<64x1xf32>
    %iota3A_60 = tpu.iota {dimensions = array<i32: 0>} : vector<64x64xi32>
    %iota3A_61 = tpu.iota {dimensions = array<i32: 1>} : vector<64x64xi32>
    %lt3A = arith.cmpi slt, %iota3A_61, %iota3A_60 : vector<64x64xi32>
    %convert_element_type3A_62 = arith.extui %lt3A : vector<64x64xi1> to vector<64x64xi32>
    %convert_element_type3A_63 = arith.sitofp %convert_element_type3A_62 : vector<64x64xi32> to vector<64x64xf32>
    %dot_general3A_64 = arith.constant dense<0.000000e+00> : vector<64x1xf32>
    %dot_general3A_65 = tpu.matmul %convert_element_type3A_63, %convert_element_type3A_59, %dot_general3A_64 {dimension_numbers = #tpu.dot_dimension_numbers<[1], [0], [0], [1], [0, 0, 1, 1], [], []>, precision = #tpu.contract_precision<fp32>, transpose_lhs_hint = false} : vector<64x64xf32>, vector<64x1xf32>, vector<64x1xf32> -> vector<64x1xf32>
    %add3A_66 = arith.addf %dot_general3A_65, %convert_element_type3A_59 : vector<64x1xf32>
    %reduce_sum3A_67 = vector.shape_cast %convert_element_type3A_59 : vector<64x1xf32> to vector<1x64x1xf32>
    %reduce_sum3A_68 = arith.constant dense<0.000000e+00> : vector<1xf32>
    %reduce_sum3A_69 = vector.multi_reduction <add>, %reduce_sum3A_67, %reduce_sum3A_68 [1, 2] : vector<1x64x1xf32> to vector<1xf32>
    %reduce_sum3A_70 = vector.shape_cast %reduce_sum3A_69 : vector<1xf32> to vector<1x1x1xf32>
    %reduce_sum3A_71 = vector.extract %reduce_sum3A_70[0, 0, 0] : f32 from vector<1x1x1xf32>
    %iota3A_72 = tpu.iota {dimensions = array<i32: 0>} : vector<512x512xi32>
    %iota3A_73 = tpu.iota {dimensions = array<i32: 1>} : vector<512x512xi32>
    %lt3A_74 = arith.cmpi slt, %iota3A_73, %iota3A_72 : vector<512x512xi32>
    %convert_element_type3A_75 = arith.extui %lt3A_74 : vector<512x512xi1> to vector<512x512xi32>
    %convert_element_type3A_76 = arith.sitofp %convert_element_type3A_75 : vector<512x512xi32> to vector<512x512xf32>
    %dot_general3A_77 = arith.constant dense<0.000000e+00> : vector<512x64xf32>
    %dot_general3A_78 = tpu.matmul %convert_element_type3A_76, %convert_element_type3A_21, %dot_general3A_77 {dimension_numbers = #tpu.dot_dimension_numbers<[1], [0], [0], [1], [0, 0, 1, 1], [], []>, transpose_lhs_hint = false} : vector<512x512xf32>, vector<512x64xf32>, vector<512x64xf32> -> vector<512x64xf32>
    %mul3A_79 = arith.mulf %dot_general3A_78, %convert_element_type3A_21 : vector<512x64xf32>
    %reduce_sum3A_80 = arith.constant dense<0.000000e+00> : vector<512xf32>
    %reduce_sum3A_81 = vector.multi_reduction <add>, %mul3A_79, %reduce_sum3A_80 [1] : vector<512x64xf32> to vector<512xf32>
    %broadcast_in_dim3A_82 = vector.shape_cast %reduce_sum3A_81 : vector<512xf32> to vector<512x1xf32>
    %dot_general3A_83 = arith.constant dense<0.000000e+00> : vector<512x1xf32>
    %dot_general3A_84 = tpu.matmul %convert_element_type3A_21, %dot_general3A_65, %dot_general3A_83 {dimension_numbers = #tpu.dot_dimension_numbers<[1], [0], [0], [1], [0, 0, 1, 1], [], []>, transpose_lhs_hint = false} : vector<512x64xf32>, vector<64x1xf32>, vector<512x1xf32> -> vector<512x1xf32>
    %add3A_85 = arith.addf %dot_general3A_84, %broadcast_in_dim3A_82 : vector<512x1xf32>
    %convert_element_type3A_86 = arith.fptosi %add3A_85 : vector<512x1xf32> to vector<512x1xi32>
    %eq3A_87 = arith.cmpi eq, %iota3A_72, %iota3A_73 : vector<512x512xi32>
    %convert_element_type3A_88 = arith.extui %eq3A_87 : vector<512x512xi1> to vector<512x512xi32>
    %convert_element_type3A_89 = arith.sitofp %convert_element_type3A_88 : vector<512x512xi32> to vector<512x512xf32>
    %jit3A_90 = arith.constant 32 : i32
    %div3A_91 = vector.broadcast %jit3A_90 : i32 to vector<512x1xi32>
    %div3A_92 = arith.divsi %convert_element_type3A_86, %div3A_91 : vector<512x1xi32>
    %sign3A_93 = arith.constant 0 : i32
    %sign3A_94 = vector.broadcast %sign3A_93 : i32 to vector<512x1xi32>
    %sign3A_95 = arith.cmpi sgt, %convert_element_type3A_86, %sign3A_94 : vector<512x1xi32>
    %sign3A_96 = arith.extui %sign3A_95 : vector<512x1xi1> to vector<512x1xi32>
    %sign3A_97 = arith.constant 0 : i32
    %sign3A_98 = vector.broadcast %sign3A_97 : i32 to vector<512x1xi32>
    %sign3A_99 = arith.cmpi slt, %convert_element_type3A_86, %sign3A_98 : vector<512x1xi32>
    %sign3A_100 = arith.extui %sign3A_99 : vector<512x1xi1> to vector<512x1xi32>
    %sign3A_101 = arith.subi %sign3A_96, %sign3A_100 : vector<512x1xi32>
    %sign3A_102 = arith.constant 0 : i32
    %sign3A_103 = arith.cmpi sgt, %jit3A_90, %sign3A_102 : i32
    %sign3A_104 = arith.extui %sign3A_103 : i1 to i32
    %sign3A_105 = arith.constant 0 : i32
    %sign3A_106 = arith.cmpi slt, %jit3A_90, %sign3A_105 : i32
    %sign3A_107 = arith.extui %sign3A_106 : i1 to i32
    %sign3A_108 = arith.subi %sign3A_104, %sign3A_107 : i32
    %ne3A_109 = vector.broadcast %sign3A_108 : i32 to vector<512x1xi32>
    %ne3A_110 = arith.cmpi ne, %sign3A_101, %ne3A_109 : vector<512x1xi32>
    %rem3A_111 = vector.broadcast %jit3A_90 : i32 to vector<512x1xi32>
    %rem3A_112 = arith.remsi %convert_element_type3A_86, %rem3A_111 : vector<512x1xi32>
    %ne3A_113 = arith.constant 0 : i32
    %ne3A_114 = vector.broadcast %ne3A_113 : i32 to vector<512x1xi32>
    %ne3A_115 = arith.cmpi ne, %rem3A_112, %ne3A_114 : vector<512x1xi32>
    %and3A_116 = arith.andi %ne3A_110, %ne3A_115 : vector<512x1xi1>
    %sub3A_117 = arith.constant 1 : i32
    %sub3A_118 = vector.broadcast %sub3A_117 : i32 to vector<512x1xi32>
    %sub3A_119 = arith.subi %div3A_92, %sub3A_118 : vector<512x1xi32>
    %select_n3A_120 = arith.select %and3A_116, %sub3A_119, %div3A_92 : vector<512x1xi1>, vector<512x1xi32>
    %convert_element_type3A_121 = arith.sitofp %select_n3A_120 : vector<512x1xi32> to vector<512x1xf32>
    %mul3A_122 = arith.constant 32 : i32
    %mul3A_123 = vector.broadcast %mul3A_122 : i32 to vector<512x1xi32>
    %mul3A_124 = arith.muli %select_n3A_120, %mul3A_123 : vector<512x1xi32>
    %sub3A_125 = arith.subi %convert_element_type3A_86, %mul3A_124 : vector<512x1xi32>
    %convert_element_type3A_126 = arith.sitofp %sub3A_125 : vector<512x1xi32> to vector<512x1xf32>
    %concatenate3A = tpu.concatenate %convert_element_type3A_121, %convert_element_type3A_126 in 1 : vector<512x1xf32>, vector<512x1xf32> -> vector<512x2xf32>
    %dot_general3A_127 = arith.constant dense<0.000000e+00> : vector<2x512xf32>
    %dot_general3A_128 = tpu.matmul %concatenate3A, %convert_element_type3A_89, %dot_general3A_127 {dimension_numbers = #tpu.dot_dimension_numbers<[0], [0], [1], [1], [0, 1, 1, 1], [], []>, transpose_lhs_hint = false} : vector<512x2xf32>, vector<512x512xf32>, vector<2x512xf32> -> vector<2x512xf32>
    %slice3A = vector.extract_strided_slice %dot_general3A_128 {offsets = [0, 0], sizes = [1, 512], strides = [1, 1]} : vector<2x512xf32> to vector<1x512xf32>
    %mul3A_129 = arith.constant 3.200000e+01 : f32
    %mul3A_130 = vector.broadcast %mul3A_129 : f32 to vector<1x512xf32>
    %mul3A_131 = arith.mulf %mul3A_130, %slice3A : vector<1x512xf32>
    %slice3A_132 = vector.extract_strided_slice %dot_general3A_128 {offsets = [1, 0], sizes = [1, 512], strides = [1, 1]} : vector<2x512xf32> to vector<1x512xf32>
    %add3A_133 = arith.addf %mul3A_131, %slice3A_132 : vector<1x512xf32>
    %convert_element_type3A_134 = arith.fptosi %add3A_133 : vector<1x512xf32> to vector<1x512xi32>
    %swap3A = arith.constant 0 : index
    %swap3A_135 = arith.constant 0 : index
    %swap3A_136 = vector.load %arg2[%swap3A, %swap3A_135] : memref<1x512xi32, #tpu.memory_space<vmem>>, vector<1x512xi32>
    tpu.vector_store %arg2[%swap3A, %swap3A_135], %convert_element_type3A_134 {strides = array<i32>} : memref<1x512xi32, #tpu.memory_space<vmem>>, vector<1x512xi32>,
    %iota3A_137 = tpu.iota {dimensions = array<i32: 1>} : vector<512x2560xi32>
    %eq3A_138 = vector.broadcast %convert_element_type3A_86 : vector<512x1xi32> to vector<512x2560xi32>
    %eq3A_139 = arith.cmpi eq, %iota3A_137, %eq3A_138 : vector<512x2560xi32>
    %convert_element_type3A_140 = arith.extui %eq3A_139 : vector<512x2560xi1> to vector<512x2560xi32>
    %convert_element_type3A_141 = arith.sitofp %convert_element_type3A_140 : vector<512x2560xi32> to vector<512x2560xf32>
    %dot_general3A_142 = arith.constant dense<0.000000e+00> : vector<2560x768xf32>
    %dot_general3A_143 = tpu.matmul %convert_element_type3A_141, %reshape3A, %dot_general3A_142 {dimension_numbers = #tpu.dot_dimension_numbers<[0], [0], [1], [1], [0, 1, 1, 1], [], []>, transpose_lhs_hint = false} : vector<512x2560xf32>, vector<512x768xf32>, vector<2560x768xf32> -> vector<2560x768xf32>
    %convert_element_type3A_144 = arith.truncf %dot_general3A_143 : vector<2560x768xf32> to vector<2560x768xbf16>
    %swap3A_145 = arith.constant 0 : index
    %swap3A_146 = arith.constant 0 : index
    %swap3A_147 = vector.load %arg3[%swap3A_145, %swap3A_146] : memref<2560x768xbf16, #tpu.memory_space<vmem>>, vector<2560x768xbf16>
    tpu.vector_store %arg3[%swap3A_145, %swap3A_146], %convert_element_type3A_144 {strides = array<i32>} : memref<2560x768xbf16, #tpu.memory_space<vmem>>, vector<2560x768xbf16>,
    %convert_element_type3A_148 = arith.truncf %div3A_15 : vector<512x1xf32> to vector<512x1xbf16>
    %convert_element_type3A_149 = arith.extf %convert_element_type3A_148 : vector<512x1xbf16> to vector<512x1xf32>
    %sub3A_150 = arith.subf %div3A_15, %convert_element_type3A_149 : vector<512x1xf32>
    %concatenate3A_151 = tpu.concatenate %convert_element_type3A_149, %sub3A_150 in 1 : vector<512x1xf32>, vector<512x1xf32> -> vector<512x2xf32>
    %dot_general3A_152 = arith.constant dense<0.000000e+00> : vector<2560x2xf32>
    %dot_general3A_153 = tpu.matmul %convert_element_type3A_141, %concatenate3A_151, %dot_general3A_152 {dimension_numbers = #tpu.dot_dimension_numbers<[0], [0], [1], [1], [0, 1, 1, 1], [], []>, transpose_lhs_hint = false} : vector<512x2560xf32>, vector<512x2xf32>, vector<2560x2xf32> -> vector<2560x2xf32>
    %reduce_sum3A_154 = arith.constant dense<0.000000e+00> : vector<2560xf32>
    %reduce_sum3A_155 = vector.multi_reduction <add>, %dot_general3A_153, %reduce_sum3A_154 [1] : vector<2560x2xf32> to vector<2560xf32>
    %broadcast_in_dim3A_156 = vector.shape_cast %reduce_sum3A_155 : vector<2560xf32> to vector<2560x1xf32>
    %swap3A_157 = arith.constant 0 : index
    %swap3A_158 = arith.constant 0 : index
    %swap3A_159 = vector.load %arg4[%swap3A_157, %swap3A_158] : memref<2560x1xf32, #tpu.memory_space<vmem>>, vector<2560x1xf32>
    tpu.vector_store %arg4[%swap3A_157, %swap3A_158], %broadcast_in_dim3A_156 {strides = array<i32>} : memref<2560x1xf32, #tpu.memory_space<vmem>>, vector<2560x1xf32>,
    %iota3A_160 = tpu.iota {dimensions = array<i32: 1>} : vector<1x80xi32>
    %convert_element_type3A_161 = arith.sitofp %iota3A_160 : vector<1x80xi32> to vector<1x80xf32>
    %mul3A_162 = arith.constant 3.200000e+01 : f32
    %mul3A_163 = vector.broadcast %mul3A_162 : f32 to vector<1x80xf32>
    %mul3A_164 = arith.mulf %convert_element_type3A_161, %mul3A_163 : vector<1x80xf32>
    %sub3A_165 = arith.constant 3.200000e+01 : f32
    %sub3A_166 = arith.subf %reduce_sum3A_71, %sub3A_165 : f32
    %min3A = vector.broadcast %sub3A_166 : f32 to vector<1x80xf32>
    %min3A_167 = arith.minimumf %mul3A_164, %min3A : vector<1x80xf32>
    %le3A = vector.broadcast %add3A_66 : vector<64x1xf32> to vector<64x80xf32>
    %le3A_168 = vector.broadcast %min3A_167 : vector<1x80xf32> to vector<64x80xf32>
    %le3A_169 = arith.cmpf ole, %le3A, %le3A_168 : vector<64x80xf32>
    %convert_element_type3A_170 = arith.extui %le3A_169 : vector<64x80xi1> to vector<64x80xi32>
    %convert_element_type3A_171 = arith.sitofp %convert_element_type3A_170 : vector<64x80xi32> to vector<64x80xf32>
    %reduce_sum3A_172 = arith.constant dense<0.000000e+00> : vector<80xf32>
    %reduce_sum3A_173 = vector.multi_reduction <add>, %convert_element_type3A_171, %reduce_sum3A_172 [0] : vector<64x80xf32> to vector<80xf32>
    %broadcast_in_dim3A_174 = vector.shape_cast %reduce_sum3A_173 : vector<80xf32> to vector<1x80xf32>
    %convert_element_type3A_175 = arith.fptosi %broadcast_in_dim3A_174 : vector<1x80xf32> to vector<1x80xi32>
    %swap3A_176 = arith.constant 0 : index
    %swap3A_177 = arith.constant 0 : index
    %swap3A_178 = vector.load %arg5[%swap3A_176, %swap3A_177] : memref<1x80xi32, #tpu.memory_space<vmem>>, vector<1x80xi32>
    tpu.vector_store %arg5[%swap3A_176, %swap3A_177], %convert_element_type3A_175 {strides = array<i32>} : memref<1x80xi32, #tpu.memory_space<vmem>>, vector<1x80xi32>,
    %lt3A_179 = vector.broadcast %reduce_sum3A_71 : f32 to vector<1x80xf32>
    %lt3A_180 = arith.cmpf olt, %mul3A_164, %lt3A_179 : vector<1x80xf32>
    %convert_element_type3A_181 = arith.extui %lt3A_180 : vector<1x80xi1> to vector<1x80xi32>
    %swap3A_182 = arith.constant 0 : index
    %swap3A_183 = arith.constant 0 : index
    %swap3A_184 = vector.load %arg6[%swap3A_182, %swap3A_183] : memref<1x80xi32, #tpu.memory_space<vmem>>, vector<1x80xi32>
    tpu.vector_store %arg6[%swap3A_182, %swap3A_183], %convert_element_type3A_181 {strides = array<i32>} : memref<1x80xi32, #tpu.memory_space<vmem>>, vector<1x80xi32>,
    return
  }
}

</mosaic_0001>

<sc_bundles>
// kernel: kernel.5.cloned.1.call-start
scs
__scs_entry_jumppad:
0x0: {  	(pc) =	sbr.rel $0x88, $3  }
0x1: {  	(tag) =	ssettag $0x0;
	lr =	simm.s32 $0x1  }
0x2: {  	[smem:$0x3F9B] =	sst lr;
	_ =	strace $0xD0000000  }
0x3: {  	_ = 	snop  }
0x4: {  	_ = 	snop  }
0x5: {  	_ = 	snop  }
0x6: {  	_ = 	snop  }
0x7: {  	_ = 	snop  }
__scs_overlays_trampoline_lowered:
0x8: {  	[smem:$0x3FAA] =	sst s0  }
0x9: {  	[smem:$0x3FAB] =	sst s1  }
0xa: {  	[smem:$0x3FAC] =	sst s2  }
0xb: {  	[smem:$0x3FAD] =	sst s3  }
0xc: {  	[smem:$0x3FAE] =	sst s4  }
0xd: {  	[smem:$0x3FAF] =	sst s5  }
0xe: {  	[smem:$0x3FB0] =	sst s6  }
0xf: {  	[smem:$0x3FB1] =	sst s7  }
0x10: {  	[smem:$0x3FB2] =	sst s8  }
0x11: {  	[smem:$0x3FB3] =	sst s9;
	s0 =	simm.s32 @!p0 $0x0  }
0x12: {  	s1 =	sld [smem:$0x3F99];
	s0 =	simm.s32 @p0 $0x1  }
0x13: {  	[smem:$0x3FB4] =	sst s0;
	s0 =	simm.s32 @!p1 $0x0  }
0x14: {  	s2 =	sld [smem:$0x3F98];
	s0 =	simm.s32 @p1 $0x1  }
0x15: {  	[smem:$0x3FB5] =	sst s0;
	s0 =	simm.s32 @!p2 $0x0  }
0x16: {  	s3 =	sld [smem:$0x3FDB];
	s0 =	simm.s32 @p2 $0x1  }
0x17: {  	s4 =	simm.s32 $0x1BF5;
	[smem:$0x3FB7] =	sst s0  }
0x18: {  	s0 =	sld [smem:$0x3F9A];
	_ =	swait.ge [sflag:s4], $0x0  }
0x19: {  	s7 =	sld [smem:$0x3F9B]  }
0x1a: {  	s8 =	sadd.s32 $0xFFFFE003, lr  }
0x1b: {  	s9 =	sadd.s32 $0xFFFFFEF7, lr;
	s5 =	simm.s32 $0xFFFFFFFF;
	p2 =	slt.u32 s8, $0xFFFFF086  }
0x1c: {  	p1 =	slt.u32 s9, $0xF7A;
	s5 =	simm.s32 @!p2 $0x0  }
0x1d: {  	s5 =	simm.s32 @p1 $0x1;
	p0 =	seq.s32 s7, s2  }
0x1e: {  	s7 =	smul.u32 @!p0 $0xF7A, s2;
	p2 =	seq.s32 @!p0 s5, $0x0  }
0x1f: {  	s9 =	smul.u32 $0xF7A, s1;
	s8 =	simm.s32 @!p0 $0x1BF5;
	p2 =	por !p2, p0  }
0x20: {  	[sflag:s8] =	ssyncset.s32 @!p0 $0xFFFFF086;
	s6 =	sadd.s32 @!p0 s3, s7;
	s7 =	simm.s32 @!p0 $0x108  }
0x21: {  	s3 =	sadd.s32 s3, s9;
	s6 =	sadd.s32 @!p0 $0x88, s6;
	s7 =	simm.s32 @p2 $0x1082  }
0x22: {  	[simem:s7], [sflag:s8] =	dma.local @!p0 [hbm:s6], $0xF7A  }
0x23: {  	s9 =	sor.u32 $0xD0000000, s2;
	s6 =	simm.s32 $0x108;
	_ =	swait.ge @!p0 [sflag:s8], $0x0  }
0x24: {  	s3 =	sadd.s32 $0x88, s3;
	s6 =	simm.s32 @!p1 $0x1082;
	[sflag:s4] =	ssyncset.s32 $0xFFFFF086  }
0x25: {  	[simem:s6], [sflag:s4] =	dma.local [hbm:s3], $0xF7A  }
0x26: {  	[smem:$0x3F9B] =	sst s1;
	(tag) =	ssettag s2;
	_ =	strace s9  }
0x27: {  	s1 =	sld [smem:$0x3FAB]  }
0x28: {  	s2 =	sld [smem:$0x3FAC]  }
0x29: {  	s4 =	sld [smem:$0x3FAE]  }
0x2a: {  	p0 =	seq.s32 s5, $0x0;
	s5 =	sld [smem:$0x3FAF]  }
0x2b: {  	s6 =	sld [smem:$0x3FB0]  }
0x2c: {  	s7 =	sld [smem:$0x3FB1]  }
0x2d: {  	s3 =	simm.s32 $0x108;
	s8 =	sld [smem:$0x3FB2]  }
0x2e: {  	s3 =	simm.s32 @!p0 $0x1082;
	s9 =	sld [smem:$0x3FB3]  }
0x2f: {  	lr =	sadd.s32 s0, s3;
	s0 =	sld [smem:$0x3FAA]  }
0x30: {  	s3 =	sld [smem:$0x3FAD]  }
0x31: {  	[smem:$0x3FB6] =	sst s10  }
0x32: {  	s10 =	sld [smem:$0x3FB4];
	_ =	sdelay $0x3  }
0x33: {  	p0 =	seq.s32 s10, $0x1;
	s10 =	sld [smem:$0x3FB6];
	_ =	sdelay $0x3  }
0x34: {  	[smem:$0x3FB6] =	sst s10  }
0x35: {  	s10 =	sld [smem:$0x3FB5];
	_ =	sdelay $0x3  }
0x36: {  	p1 =	seq.s32 s10, $0x1;
	s10 =	sld [smem:$0x3FB6];
	_ =	sdelay $0x3  }
0x37: {  	[smem:$0x3FB6] =	sst s10  }
0x38: {  	s10 =	sld [smem:$0x3FB7]  }
0x39: {  	_ = 	snop;
	(pc) =	sbr.ind lr, $3  }
0x3a: {  	_ = 	snop  }
0x3b: {  	_ = 	snop  }
0x3c: {  	p2 =	seq.s32 s10, $0x1;
	s10 =	sld [smem:$0x3FB6]  }
0x3d: {  	_ =	shalt  }
0x3e: {  	_ =	shalt  }
0x3f: {  	_ =	shalt  }
0x40: {  	_ =	shalt  }
0x41: {  	_ =	shalt  }
0x42: {  	_ =	shalt  }
0x43: {  	_ =	shalt  }
0x44: {  	_ =	shalt  }
0x45: {  	_ =	shalt  }
0x46: {  	_ =	shalt  }
0x47: {  	_ =	shalt  }
0x48: {  	_ =	shalt  }
0x49: {  	_ =	shalt  }
0x4a: {  	_ =	shalt  }
0x4b: {  	_ =	shalt  }
0x4c: {  	_ =	shalt  }
0x4d: {  	_ =	shalt  }
0x4e: {  	_ =	shalt  }
0x4f: {  	_ =	shalt  }
0x50: {  	_ =	shalt  }
0x51: {  	_ =	shalt  }
0x52: {  	_ =	shalt  }
0x53: {  	_ =	shalt  }
0x54: {  	_ =	shalt  }
0x55: {  	_ =	shalt  }
0x56: {  	_ =	shalt  }
0x57: {  	_ =	shalt  }
0x58: {  	_ =	shalt  }
0x59: {  	_ =	shalt  }
0x5a: {  	_ =	shalt  }
0x5b: {  	_ =	shalt  }
0x5c: {  	_ =	shalt  }
0x5d: {  	_ =	shalt  }
0x5e: {  	_ =	shalt  }
0x5f: {  	_ =	shalt  }
0x60: {  	_ =	shalt  }
0x61: {  	_ =	shalt  }
0x62: {  	_ =	shalt  }
0x63: {  	_ =	shalt  }
0x64: {  	_ =	shalt  }
0x65: {  	_ =	shalt  }
0x66: {  	_ =	shalt  }
0x67: {  	_ =	shalt  }
0x68: {  	_ =	shalt  }
0x69: {  	_ =	shalt  }
0x6a: {  	_ =	shalt  }
0x6b: {  	_ =	shalt  }
0x6c: {  	_ =	shalt  }
0x6d: {  	_ =	shalt  }
0x6e: {  	_ =	shalt  }
0x6f: {  	_ =	shalt  }
0x70: {  	_ =	shalt  }
0x71: {  	_ =	shalt  }
0x72: {  	_ =	shalt  }
0x73: {  	_ =	shalt  }
0x74: {  	_ =	shalt  }
0x75: {  	_ =	shalt  }
0x76: {  	_ =	shalt  }
0x77: {  	_ =	shalt  }
0x78: {  	_ =	shalt  }
0x79: {  	_ =	shalt  }
0x7a: {  	_ =	shalt  }
0x7b: {  	_ =	shalt  }
0x7c: {  	_ =	shalt  }
0x7d: {  	_ =	shalt  }
0x7e: {  	_ =	shalt  }
0x7f: {  	_ =	shalt  }
0x80: {  	_ =	shalt  }
0x81: {  	_ =	shalt  }
0x82: {  	_ =	shalt  }
0x83: {  	_ =	shalt  }
0x84: {  	_ =	shalt  }
0x85: {  	_ =	shalt  }
0x86: {  	_ =	shalt  }
0x87: {  	_ =	shalt  }
.Lfunc_end0:
.L_simem_size_0:
called_computation_lowered:
.L_overlay_start_0:
0x88: {  	s2 =	sld [smem:$0x3FD9]  }
0x89: {  	s3 =	sld [smem:$0x3FFE];
	_ =	sdelay $0x1  }
0x8a: {  	s1 =	srdreg.scid  }
0x8b: {  	s0 =	sand.u32 $0x1, s1  }
0x8c: {  	s17 =	sshll.u32 s0, $0xA;
	s2 =	sadd.s32 s3, s2  }
0x8d: {  	s2 =	sadd.s32 s2, s17  }
0x8e: {  	[smem:$0x3FC2] =	sst s2  }
0x8f: {  	_ = 	snop  }
0x90: {  	s2 =	sld [smem:$0x3FD0];
	(tm) =	ssettm $0x1  }
0x91: {  	s18 =	sld [smem:$0x3FFB];
	_ =	sdelay $0x3  }
0x92: {  	_ =	strace s18  }
0x93: {  	s3 =	sld [smem:$0x3FFC];
	_ =	sdelay $0x3  }
0x94: {  	_ =	strace s3  }
0x95: {  	s3 =	sld [smem:$0x3FFD];
	_ =	sdelay $0x3  }
0x96: {  	_ =	strace s3  }
0x97: {  	_ =	strace $0x8FFFFFFF  }
0x98: {  	s19 =	sld [smem:$0x3FDB];
	_ =	sdelay $0x1  }
0x99: {  	s4 =	simm.s32 $_scs_section_size  }
0x9a: {  	s5 =	simm.s32 $_size__tile_overlayer_lowered;
	s6 =	simm.s32 $_tile_overlayer_lowered  }
0x9b: {  	s22 =	simm.s32 $0x1BFF;
	s21 =	sshll.u32 s6, $0x1;
	s3 =	sadd.s32 s4, s19  }
0x9c: {  	s7 =	simm.s32 $0x0;
	s20 =	sshll.u32 s5, $0x1;
	s5 =	sadd.s32 s21, s3  }
0x9d: {  	[timem:s7], [sflag:s22] =	dma.local [hbm:s5], s20  }
0x9e: {  	_ =	swait.ge [sflag:s22], s20  }
0x9f: {  	s4 =	ssub.s32 $0x0, s20;
	[sflag:s22] =	ssyncset.done $0x0  }
0xa0: {  	[sflag:s22] =	ssyncadd.s32 s4;
	_ =	sdelay $0x1  }
0xa1: {  	s23 =	simm.s32 $0x1B8B  }
0xa2: {  	_ =	swait.ge [sflag:s23], $0x1  }
0xa3: {  	[sflag:s23] =	ssyncset.done $0x0  }
0xa4: {  	s25 =	simm.s32 $0x1B8E;
	s24 =	sld [smem:$0x3FFE];
	[sflag:s23] =	ssyncadd.s32 $0xFFFFFFFF  }
0xa5: {  	s26 =	simm.s32 $execute0_lowered;
	[smem:$0x3FD2] =	sst s25  }
0xa6: {  	s5 =	sshll.u32 s26, $0x1;
	_ =	strace $0x80000046;
	[dreg:$0x1] =	wrdreg $0xFFFFFFFF  }
0xa7: {  	s28 =	simm.s32 $_size_execute0_lowered;
	s3 =	sadd.s32 s3, s5;
	[dreg:$0x0] =	wrdreg $0x0  }
0xa8: {  	s5 =	sshll.u32 s28, $0x1;
	[dreg:$0x2] =	wrdreg s3  }
0xa9: {  	[dreg:$0x3] =	wrdreg s5  }
0xaa: {  	[dreg:$0x4] =	wrdreg $0xC0  }
0xab: {  	_ =	task [dreg:s7], $0x5FFFF  }
0xac: {  	[dreg:$0x1] =	wrdreg $0xFFFFFFFF  }
0xad: {  	[dreg:$0x0] =	wrdreg $0x60  }
0xae: {  	[dreg:$0x2] =	wrdreg s24  }
0xaf: {  	[dreg:$0x3] =	wrdreg s2  }
0xb0: {  	[dreg:$0x4] =	wrdreg $0x9  }
0xb1: {  	_ =	task.clear_ibuf [dreg:s7], $0x5FFFF;
	_ =	strace $0x90000046  }
0xb2: {  	s29 =	simm.s32 $0x9;
	_ =	strace $0x80000048  }
0xb3: {  	_ =	swait.ge [sflag:s29], $0x1  }
0xb4: {  	[sflag:s29] =	ssyncadd.s32 $0xFFFFFFFF  }
0xb5: {  	_ =	strace $0x90000048  }
0xb6: {  	_ =	sfence  }
0xb7: {  	s30 =	sld [smem:$0x0];
	_ =	sdelay $0x2  }
0xb8: {  	s31 =	sshll.u32 s1, $0xD;
	s1 =	sshrl.u32 s1, $0x2  }
0xb9: {  	s3 =	sand.u32 $0x4000, s31;
	s1 =	sadd.s32 s1, s30  }
0xba: {  	s0 =	sor.u32 s3, s0;
	s1 =	sshll.u32 s1, $0x11  }
0xbb: {  	s0 =	sor.u32 s1, s0  }
0xbc: {  	s0 =	sadd.s32 $0x8F2B, s0  }
0xbd: {  	[sflag:s0] =	ssyncadd.remote.s32 $0x1  }
0xbe: {  	_ =	sfence.sel $0xFFFF  }
0xbf: {  	[dreg:$0x0] =	wrdreg $0xFFFFFFFF;
	(pc) =	sbr.abs _section_cstart, $3  }
0xc0: {  	[dreg:$0x1] =	wrdreg $0xFFFFFFFF  }
0xc1: {  	_ =	task.clear_ibuf [dreg:s7], $0x2FFFF;
	_ =	strace $0x9FFFFFFF  }
0xc2: {  	(tm) =	ssettm $0x7FFFFFFF  }
0xc3: {  	_ =	shalt  }
tec
execute0_lowered:
.L_overlay_start_1:
0x0: {  	(tag) =	ssettag $0x1  }
0x1: {  	s1 =	srdreg.scid  }
0x2: {  	s9 =	rddreg [dreg:$0x0];
	s0 =	stileid.u32;
	s13 =	sand.u32 $0x1, s1  }
0x3: {  	s15 =	rddreg [dreg:$0x1];
	s3 =	sshll.u32 s0, $0x2;
	s4 =	sshll.u32 s13, $0x1  }
0x4: {  	s2 =	simm.s32 $0x0;
	s1 =	rddreg [dreg:$0x2];
	s16 =	sor.u32 s4, s3  }
0x5: {  	[smem:$0x7FF] =	sst s2;
	s3 =	sadd.s32 s16, s9  }
0x6: {  	_ =	strace $0x80000047;
	s4 =	sadd.s32 $0x1200, s3;
	s3 =	simm.s32 $0x2  }
0x7: {  	[tilespmem:s2], [sflag:$0x2] =	stream.linear.gather [hbm4b:s4+s2], $0x10, $0x38;
	[tilespmem:$0x3080] =	vst v63  }
0x8: {  	_ =	swait.ge [sflag:s3], $0x10  }
0x9: {  	[sflag:s3] =	ssyncset.done $0x0  }
0xa: {  	[sflag:s3] =	ssyncadd.s32 $0xFFFFFFF0  }
0xb: {  	v0 =	vld [tilespmem:$0x0];
	_ =	sdelay $0x4  }
0xc: {  	v1 =	vshrl.u32 v0, $0x3  }
0xd: {  	v1 =	vmul.u32 $0x30, v1  }
0xe: {  	v2 =	vlaneseq.u32;
	v3 =	vand.u32 $0x7, v0  }
0xf: {  	v4 =	vshrl.u32 v2, $0x3;
	v0 =	vand.u32 $0x7, v2;
	v3 =	vor.u32 v3, v1  }
0x10: {  	v1 =	vmul.u32 $0x8, v4;
	v63 =	vperm.xlane v3, v0;
	_ =	sdelay $0x1  }
0x11: {  	v4 =	vadd.s32 v1, v63;
	_ =	sdelay $0x2  }
0x12: {  	v2 =	vor.u32 $0x8, v2  }
0x13: {  	vm0 =	vmmov $0xffff;
	s6 =	simm.s32 $0x80;
	s5 =	sadd.s32 $0x1400, s9;
	v3 =	vperm.xlane v3, v2  }
0x14: {  	[tilespmem:s6], [sflag:$0x1] =	stream.indirect_vreg.gather [hbm4b:s5+s2], $0x80, v4, vm0, $0xb8;
	[tilespmem:$0x3080] =	vst v63  }
0x15: {  	s8 =	simm.s32 $0x880;
	s7 =	sadd.s32 $0x1500, s9;
	v3 =	vadd.s32 v1, v3  }
0x16: {  	[tilespmem:s8], [sflag:$0x1] =	stream.indirect_vreg.gather [hbm4b:s7+s2], $0x80, v4, vm0, $0xb8;
	[tilespmem:$0x3080] =	vst v63  }
0x17: {  	s10 =	simm.s32 $0x1080;
	s17 =	ssub.s32 $0x2, s13;
	s9 =	sadd.s32 $0x1600, s9  }
0x18: {  	[tilespmem:s10], [sflag:$0x1] =	stream.indirect_vreg.gather [hbm4b:s9+s2], $0x80, v4, vm0, $0xb8;
	[tilespmem:$0x3080] =	vst v63  }
0x19: {  	s11 =	simm.s32 $0x1880;
	s18 =	sshrl.u32 s17, $0x1  }
0x1a: {  	[tilespmem:s11], [sflag:$0x1] =	stream.indirect_vreg.gather [hbm4b:s5+s2], $0x80, v3, vm0, $0xb8;
	[tilespmem:$0x3080] =	vst v63  }
0x1b: {  	s12 =	simm.s32 $0x2080;
	s17 =	ssub.s32 s17, s18  }
0x1c: {  	[tilespmem:s12], [sflag:$0x1] =	stream.indirect_vreg.gather [hbm4b:s7+s2], $0x80, v3, vm0, $0xb8;
	[tilespmem:$0x3080] =	vst v63  }
0x1d: {  	s14 =	simm.s32 $0x1;
	s13 =	simm.s32 $0x2880;
	s31 =	smax.u32 s17, $0x1  }
0x1e: {  	[tilespmem:s13], [sflag:$0x1] =	stream.indirect_vreg.gather [hbm4b:s9+s2], $0x80, v3, vm0, $0xb8;
	[tilespmem:$0x3080] =	vst v63  }
0x1f: {  	s16 =	smul.u32 $0x300, s16;
	p0 =	sne.s32 s31, $0x1;
	_ =	swait.ge [sflag:s14], $0x3000  }
.Ltmp0:
0x20: {  	[sflag:s14] =	ssyncset.done $0x0;
	(pc) =	sbr.rel @!p0 .LBB2_2-.Ltmp0, $4  }
0x21: {  	s15 =	sadd.s32 s15, s16;
	[sflag:s14] =	ssyncadd.s32 $0xFFFFD000  }
0x22: {  	[hbm4b:s15+s2] =	stream.linear.scatter [tilespmem:s6], [sflag:$0x2], $0x3000, $0x38;
	[tilespmem:$0x3080] =	vst v63  }
0x23: {  	_ =	swait.ge [sflag:s3], $0x3000  }
0x24: {  	s16 =	sadd.s32 $0xFFFFFFFF, s31;
	[sflag:s3] =	ssyncset.done $0x0  }
.LBB2_1:
0x25: {  	p0 =	sne.s32 s16, $0x1;
	s16 =	sadd.s32 $0xFFFFFFFF, s16;
	[sflag:s3] =	ssyncadd.s32 $0xFFFFD000  }
0x26: {  	[tilespmem:s2], [sflag:$0x2] =	stream.linear.gather [hbm4b:s4+s2], $0x10, $0x38;
	[tilespmem:$0x3080] =	vst v63  }
0x27: {  	_ =	swait.ge [sflag:s3], $0x10  }
0x28: {  	[sflag:s3] =	ssyncset.done $0x0  }
0x29: {  	[sflag:s3] =	ssyncadd.s32 $0xFFFFFFF0  }
0x2a: {  	v3 =	vld [tilespmem:$0x0];
	_ =	sdelay $0x4  }
0x2b: {  	v4 =	vshrl.u32 v3, $0x3  }
0x2c: {  	v4 =	vmul.u32 $0x30, v4  }
0x2d: {  	v3 =	vand.u32 $0x7, v3  }
0x2e: {  	v3 =	vor.u32 v3, v4  }
0x2f: {  	v4 =	vperm.xlane v3, v0;
	v3 =	vperm.xlane v3, v2;
	_ =	sdelay $0x1  }
0x30: {  	v4 =	vadd.s32 v1, v4;
	_ =	sdelay $0x4  }
0x31: {  	[tilespmem:s6], [sflag:$0x1] =	stream.indirect_vreg.gather [hbm4b:s5+s2], $0x80, v4, vm0, $0xb8;
	[tilespmem:$0x3080] =	vst v63  }
0x32: {  	v3 =	vadd.s32 v1, v3  }
0x33: {  	[tilespmem:s8], [sflag:$0x1] =	stream.indirect_vreg.gather [hbm4b:s7+s2], $0x80, v4, vm0, $0xb8;
	[tilespmem:$0x3080] =	vst v63  }
0x34: {  	_ = 	snop  }
0x35: {  	[tilespmem:s10], [sflag:$0x1] =	stream.indirect_vreg.gather [hbm4b:s9+s2], $0x80, v4, vm0, $0xb8;
	[tilespmem:$0x3080] =	vst v63  }
0x36: {  	_ = 	snop  }
0x37: {  	[tilespmem:s11], [sflag:$0x1] =	stream.indirect_vreg.gather [hbm4b:s5+s2], $0x80, v3, vm0, $0xb8;
	[tilespmem:$0x3080] =	vst v63  }
0x38: {  	_ = 	snop  }
0x39: {  	[tilespmem:s12], [sflag:$0x1] =	stream.indirect_vreg.gather [hbm4b:s7+s2], $0x80, v3, vm0, $0xb8;
	[tilespmem:$0x3080] =	vst v63  }
0x3a: {  	_ = 	snop  }
0x3b: {  	[tilespmem:s13], [sflag:$0x1] =	stream.indirect_vreg.gather [hbm4b:s9+s2], $0x80, v3, vm0, $0xb8;
	[tilespmem:$0x3080] =	vst v63  }
0x3c: {  	_ =	swait.ge [sflag:s14], $0x3000  }
.Ltmp1:
0x3d: {  	[sflag:s14] =	ssyncset.done $0x0;
	(pc) =	sbr.rel @p0 .LBB2_1-.Ltmp1, $4  }
0x3e: {  	[sflag:s14] =	ssyncadd.s32 $0xFFFFD000  }
0x3f: {  	[hbm4b:s15+s2] =	stream.linear.scatter [tilespmem:s6], [sflag:$0x2], $0x3000, $0x38;
	[tilespmem:$0x3080] =	vst v63  }
0x40: {  	_ =	swait.ge [sflag:s3], $0x3000  }
0x41: {  	[sflag:s3] =	ssyncset.done $0x0  }
.LBB2_2:
0x42: {  	[sflag:s3] =	ssyncadd.s32 $0xFFFFD000  }
0x43: {  	_ =	sfence.sel $0x180000  }
0x44: {  	[bflag:$0x0] =	sbarrier.arrive $0xFFFF  }
0x45: {  	p0 =	sne.s32 s0, $0x0;
	_ =	strace $0x90000047  }
0x46: {  	s0 =	sadd.s32 @!p0 $0x100000, s1;
	[bflag:$0x2] =	sbarrier.arrive $0xFFFF  }
0x47: {  	[sflag:s0] =	ssyncadd.tile.s32 @!p0 $0x1;
	_ =	shalt  }
.Lfunc_end2:
_tile_overlayer_lowered:
.L_overlay_start_2:
0x48: {  	(tag) =	ssettag $0x2  }
0x49: {  	s0 =	rddreg [dreg:$0x0];
	s2 =	stileid.u32  }
0x4a: {  	s1 =	rddreg [dreg:$0x1];
	p0 =	sne.s32 s2, $0x0  }
0x4b: {  	s3 =	rddreg [dreg:$0x2];
	[bflag:$0x3] =	sbarrier.arrive $0xFFFF;
	s2 =	simm.s32 @!p0 $0x1C02  }
0x4c: {  	[timem:s3], [sflag:s2] =	dma.local @!p0 [hbm:s0], s1  }
0x4d: {  	s0 =	simm.s32 @!p0 $0x2  }
0x4e: {  	_ =	swait.ge @!p0 [sflag:s0], s1  }
0x4f: {  	s1 =	ssub.s32 @!p0 $0x0, s1;
	[sflag:s0] =	ssyncset.done @!p0 $0x0  }
0x50: {  	[sflag:s0] =	ssyncadd.s32 @!p0 s1  }
0x51: {  	[bflag:$0x3] =	sbarrier.arrive $0xFFFF  }
0x52: {  	_ =	shalt  }

</sc_bundles>
